<compile_context>
chip_gen: v7x
topology: tpu7x:2x2x1
jax: 0.10.2.dev20260603
libtpu: 0.0.44.dev20260713+nightly
codegen_flags: <defaults>
</compile_context>

<pallas_src>
import functools

import jax
import jax.numpy as jnp
from jax import lax
from jax.experimental import pallas as pl
from jax.experimental.pallas import tpu as pltpu
from jax.experimental.pallas import tpu_sc as plsc

_LANES = 128
_BLK = 1920


def _score_body(x_ref, m_ref, w0_ref, b0_ref, w1_ref, b1_ref, out_ref):
    h = jnp.maximum(
        jnp.dot(x_ref[...], w0_ref[...], preferred_element_type=jnp.float32)
        + b0_ref[...],
        0.0,
    )
    s = jnp.dot(h, w1_ref[...], preferred_element_type=jnp.float32) + b1_ref[...]
    out_ref[...] = s - (1.0 - m_ref[...]) * 10000.0


def _topk_body(k, rows, s_ref, bg_ref, en_ref,
               idx_ref, fs_ref, fb_ref, fe_ref, sq_ref, tr_ref):
    s = s_ref[...]
    bits = lax.bitcast_convert_type(s, jnp.int32)
    ikey = bits ^ (lax.shift_right_arithmetic(bits, 31) & jnp.int32(0x7FFFFFFF))

    ki = jnp.int32(k)
    kf = jnp.float32(k)

    cnt0 = jnp.sum((ikey >= 0).astype(jnp.int32))
    pos_half = cnt0 >= ki
    lo0 = jnp.where(pos_half, jnp.int32(0), jnp.int32(-2147483648))
    hi0 = jnp.where(pos_half, jnp.int32(2147483647), jnp.int32(-1))

    def bs_body(_, carry):
        lo, hi = carry
        d = hi - lo
        mid = lo + lax.shift_right_arithmetic(d, 1) + (d & 1)
        cnt = jnp.sum((ikey >= mid).astype(jnp.int32))
        ge = cnt >= ki
        return (jnp.where(ge, mid, lo), jnp.where(ge, hi, mid - 1))

    t_key, _ = lax.fori_loop(0, 31, bs_body, (lo0, hi0))

    gt = ikey > t_key
    eq = ikey == t_key
    eqf = eq.astype(jnp.float32)
    need = kf - jnp.sum(gt.astype(jnp.float32))

    ii_l = lax.broadcasted_iota(jnp.int32, (_LANES, _LANES), 0)
    jj_l = lax.broadcasted_iota(jnp.int32, (_LANES, _LANES), 1)
    upper = (ii_l <= jj_l).astype(jnp.float32)
    ii_r = lax.broadcasted_iota(jnp.int32, (rows, rows), 0)
    jj_r = lax.broadcasted_iota(jnp.int32, (rows, rows), 1)
    strict_lower = (jj_r < ii_r).astype(jnp.float32)

    hi_p = lax.Precision.HIGHEST

    def rm_incl(x):
        rowincl = jnp.dot(x, upper, preferred_element_type=jnp.float32,
                          precision=hi_p)
        rowtot = rowincl[:, _LANES - 1:_LANES]
        rowoff = jnp.dot(strict_lower, rowtot, preferred_element_type=jnp.float32,
                         precision=hi_p)
        return rowincl + rowoff, rowoff + rowtot

    eq_incl, _ = rm_incl(eqf)
    eq_excl = eq_incl - eqf
    sel = jnp.logical_or(gt, jnp.logical_and(eq, eq_excl < need))
    s_incl, rowend = rm_incl(sel.astype(jnp.float32))

    kpad = idx_ref.shape[1]
    t_row = lax.broadcasted_iota(jnp.int32, (1, kpad), 1).astype(jnp.float32) + 1.0
    cmp = (rowend < t_row).astype(jnp.float32)
    r_row = jnp.dot(jnp.ones((1, rows), jnp.float32), cmp,
                    preferred_element_type=jnp.float32, precision=hi_p)
    iota_r = lax.broadcasted_iota(jnp.int32, (rows, kpad), 0).astype(jnp.float32)
    onehot_rt = (iota_r == r_row).astype(jnp.float32)
    dn = (((0,), (0,)), ((), ()))
    rowvals = lax.dot_general(s_incl, onehot_rt, dn,
                              preferred_element_type=jnp.float32,
                              precision=hi_p)
    pos_row = jnp.sum((rowvals < t_row).astype(jnp.float32), axis=0,
                      keepdims=True)
    valid = t_row <= kf
    flat = jnp.where(valid, r_row * float(_LANES) + pos_row, 0.0)
    idx_ref[...] = flat.astype(jnp.int32)

    iota_l = lax.broadcasted_iota(jnp.int32, (_LANES, kpad), 0).astype(jnp.float32)
    onehot_lt = (iota_l == pos_row).astype(jnp.float32)

    def gath(v2d):
        vrow = lax.dot_general(v2d, onehot_rt, dn,
                               preferred_element_type=jnp.float32,
                               precision=hi_p)
        return jnp.sum(vrow * onehot_lt, axis=0, keepdims=True)

    fs_ref[...] = jnp.where(valid, gath(s), 0.0)
    fb_ref[...] = jnp.where(valid, gath(bg_ref[...]), 0.0)
    fe_ref[...] = jnp.where(valid, gath(en_ref[...]), 0.0)

    sq_ref[...] = jnp.ones((k, k), jnp.float32)
    ii_k = lax.broadcasted_iota(jnp.int32, (k, k), 0)
    jj_k = lax.broadcasted_iota(jnp.int32, (k, k), 1)
    tr_ref[...] = (jj_k <= ii_k).astype(jnp.float32)


def _sc_gather(table, idx, d, kg):
    nc, ns = 2, 16
    nw = nc * ns
    b_per_w = kg // nw
    mesh = plsc.VectorSubcoreMesh(core_axis_name="c", subcore_axis_name="s")

    @functools.partial(
        pl.kernel,
        mesh=mesh,
        out_type=jax.ShapeDtypeStruct((kg, d), jnp.float32),
        scratch_types=[
            pltpu.VMEM((b_per_w,), jnp.int32),
            pltpu.VMEM((b_per_w, d), jnp.float32),
            pltpu.SemaphoreType.DMA,
        ],
    )
    def gather_k(table_hbm, idx_hbm, out_hbm, idx_v, rows_v, sem):
        wid = lax.axis_index("s") * nc + lax.axis_index("c")
        base = wid * b_per_w
        pltpu.sync_copy(idx_hbm.at[pl.ds(base, b_per_w)], idx_v)
        pltpu.async_copy(table_hbm.at[idx_v], rows_v, sem).wait()
        pltpu.sync_copy(rows_v, out_hbm.at[pl.ds(base, b_per_w)])

    return gather_k(table, idx)


def kernel(span_vecs, span_mask, span_begin, span_end, sequence_lengths,
           W0, b0, W1, b1):
    b, s, w, d = span_vecs.shape
    h = W0.shape[1]
    n = s * w
    k = min(3900, int(0.4 * s))
    rows = n // _LANES
    kpad = 1024

    x = span_vecs.reshape(n, d)
    m = span_mask.reshape(n, 1)

    prune_flat = pl.pallas_call(
        _score_body,
        grid=(n // _BLK,),
        in_specs=[
            pl.BlockSpec((_BLK, d), lambda i: (i, 0)),
            pl.BlockSpec((_BLK, 1), lambda i: (i, 0)),
            pl.BlockSpec((d, h), lambda i: (0, 0)),
            pl.BlockSpec((1, h), lambda i: (0, 0)),
            pl.BlockSpec((h, 1), lambda i: (0, 0)),
            pl.BlockSpec((1, 1), lambda i: (0, 0)),
        ],
        out_specs=pl.BlockSpec((_BLK, 1), lambda i: (i, 0)),
        out_shape=jax.ShapeDtypeStruct((n, 1), jnp.float32),
    )(x, m, W0, b0.reshape(1, h), W1, b1.reshape(1, 1))

    scores2d = prune_flat.reshape(rows, _LANES)
    bg2d = span_begin.reshape(rows, _LANES)
    en2d = span_end.reshape(rows, _LANES)

    idx_row, fs_row, fb_row, fe_row, sq, tr = pl.pallas_call(
        functools.partial(_topk_body, k, rows),
        out_shape=(
            jax.ShapeDtypeStruct((1, kpad), jnp.int32),
            jax.ShapeDtypeStruct((1, kpad), jnp.float32),
            jax.ShapeDtypeStruct((1, kpad), jnp.float32),
            jax.ShapeDtypeStruct((1, kpad), jnp.float32),
            jax.ShapeDtypeStruct((k, k), jnp.float32),
            jax.ShapeDtypeStruct((k, k), jnp.float32),
        ),
    )(scores2d, bg2d, en2d)

    filt_vecs = _sc_gather(x, idx_row.reshape(kpad), d, kpad)[:k][None]

    prune_scores = prune_flat.reshape(b, s, w, 1)
    sorted_idx = idx_row[:, :k]
    filt_scores = fs_row[:, :k][..., None]
    filt_begin = fb_row[:, :k][..., None]
    filt_end = fe_row[:, :k][..., None]

    return (prune_scores, filt_vecs, filt_scores, filt_begin, filt_end,
            sorted_idx, sq[None], tr[None])

# --- scband reference (transcript-rebuilt; emitter-appended) ---
"""Pipeline reference for scband-mention-pruner-span-bert-hoi-16131897163800 (READ-ONLY COPY).

The authoritative reference and input builder live on the scoring server;
editing this copy changes nothing except your own understanding.
"""

import jax, jax.numpy as jnp
import numpy as np

B, S, W, D, H = 1, 2048, 15, 1024, 128
MAX_EXTRACTED = 3900
PRUNE_RATIO = 0.4


def setup_inputs(seed: int = 0) -> dict:
    key = jax.random.key(seed)
    ks = jax.random.split(key, 8)
    span_vecs = jax.random.normal(ks[0], (B, S, W, D), dtype=jnp.float32)
    span_mask = jnp.ones((B, S, W), dtype=jnp.float32)
    begin = jnp.tile(jnp.arange(S, dtype=jnp.float32)[None, :, None, None], (B, 1, W, 1))
    width = jnp.arange(W, dtype=jnp.float32)[None, None, :, None]
    span_begin = begin
    span_end = begin + width
    sequence_lengths = jnp.full((B,), S, dtype=jnp.int32)
    # scorer FFNN params (make_ffnn: Linear(D,H) -> ReLU -> Dropout -> Linear(H,1)), std=0.02 init
    W0 = jax.random.normal(ks[1], (D, H), dtype=jnp.float32) * 0.02
    b0 = jnp.zeros((H,), dtype=jnp.float32)
    W1 = jax.random.normal(ks[2], (H, 1), dtype=jnp.float32) * 0.02
    b1 = jnp.zeros((1,), dtype=jnp.float32)
    return {"span_vecs": span_vecs, "span_mask": span_mask, "span_begin": span_begin,
            "span_end": span_end, "sequence_lengths": sequence_lengths,
            "W0": W0, "b0": b0, "W1": W1, "b1": b1}


def reference(span_vecs, span_mask, span_begin, span_end, sequence_lengths, W0, b0, W1, b1):
    b, s, w, d = span_vecs.shape
    # FFNN mention scorer (dropout is identity at inference)
    h = jnp.maximum(jnp.einsum('bswd,dh->bswh', span_vecs, W0) + b0, 0.0)
    scores = jnp.einsum('bswh,ho->bswo', h, W1) + b1  # [B,S,W,1]
    prune_scores = scores - (1.0 - span_mask[..., None]) * 10000.0
    n = s * w
    flat_scores = prune_scores.reshape(b, n)
    k = min(MAX_EXTRACTED, int(PRUNE_RATIO * s))
    top_vals, top_idx = jax.lax.top_k(flat_scores, k)
    # sort_after_pruning=True: restore document order
    sorted_idx = jnp.sort(top_idx, axis=-1)
    bidx = jnp.arange(b)[:, None]
    flat_vecs = span_vecs.reshape(b, n, d)
    filt_vecs = flat_vecs[bidx, sorted_idx]                 # [B,k,D] gather
    filt_scores = flat_scores[bidx, sorted_idx][..., None]  # [B,k,1]
    filt_begin = span_begin.reshape(b, n)[bidx, sorted_idx][..., None]
    filt_end = span_end.reshape(b, n)[bidx, sorted_idx][..., None]
    square_mask = jnp.ones((b, k, k), dtype=jnp.float32)
    triangular_mask = jnp.tile(jnp.tril(jnp.ones((k, k), dtype=jnp.float32))[None], (b, 1, 1))
    return (prune_scores, filt_vecs, filt_scores, filt_begin, filt_end, sorted_idx, square_mask, triangular_mask)

if __name__ == "__main__":
    import jax
    _d = setup_inputs()
    print(jax.jit(kernel)(*tuple(_d.values())))

</pallas_src>

<mosaic_0001>
#map = affine_map<(d0, d1) -> (0, 0)>
#map1 = affine_map<(d0, d1) -> (0)>
module attributes {stable_mosaic.version = 14 : i64} {
  func.func @gather_k(%arg0: i32, %arg1: i32, %arg2: memref<30720x1024xf32, #tpu.memory_space<hbm>>, %arg3: memref<1024xi32, #tpu.memory_space<hbm>>, %arg4: memref<1024x1024xf32, #tpu.memory_space<hbm>>, %arg5: memref<32xi32, #tpu.memory_space<vmem>>, %arg6: memref<32x1024xf32, #tpu.memory_space<vmem>>, %arg7: memref<!tpu.dma_semaphore, #tpu.memory_space<semaphore_mem>>) attributes {dimension_semantics = [#tpu.dimension_semantics<core_parallel>, #tpu.dimension_semantics<subcore_parallel>], iteration_bounds = array<i64: 2, 16>, scalar_prefetch = 0 : i64, scratch_operands = 3 : i64, tpu.core_type = #tpu.core_type<sc_vector_subcore>, window_params = [{transform_indices = #map}, {transform_indices = #map1}, {transform_indices = #map}]} {
    %mul3A = arith.constant 2 : i32
    %mul3A_0 = arith.muli %arg1, %mul3A : i32
    %add3A = arith.addi %mul3A_0, %arg0 : i32
    %mul3A_1 = arith.constant 32 : i32
    %mul3A_2 = arith.muli %add3A, %mul3A_1 : i32
    "tpu.region"() ({
      %run_scoped3A = tpu.sem_alloc : memref<!tpu.dma_semaphore, #tpu.memory_space<semaphore_mem>>
      %dma_start3A_7 = tpu.memref_slice %arg3[%mul3A_2] : memref<1024xi32, #tpu.memory_space<hbm>> -> memref<32xi32, #tpu.memory_space<hbm>>
      %dma_start3A_8 = tpu.memref_slice %arg3[%mul3A_2] : memref<1024xi32, #tpu.memory_space<hbm>> -> memref<32xi32, #tpu.memory_space<hbm>>
      tpu.enqueue_dma source(%dma_start3A_8 : memref<32xi32, #tpu.memory_space<hbm>>) target(%arg5 : memref<32xi32, #tpu.memory_space<vmem>>) target_semaphore(%run_scoped3A : memref<!tpu.dma_semaphore, #tpu.memory_space<semaphore_mem>>)
      %dma_wait3A_9 = tpu.memref_slice %arg3[%mul3A_2] : memref<1024xi32, #tpu.memory_space<hbm>> -> memref<32xi32, #tpu.memory_space<hbm>>
      %dma_wait3A_10 = tpu.memref_slice %arg3[%mul3A_2] : memref<1024xi32, #tpu.memory_space<hbm>> -> memref<32xi32, #tpu.memory_space<hbm>>
      tpu.wait_dma2 semaphore(%run_scoped3A : memref<!tpu.dma_semaphore, #tpu.memory_space<semaphore_mem>>) src(%dma_wait3A_10 : memref<32xi32, #tpu.memory_space<hbm>>) dst(%arg5 : memref<32xi32, #tpu.memory_space<vmem>>)
      tpu.yield
    }) : () -> ()
    %dma_start3A = arith.constant 0 : i32
    %dma_start3A_3 = arith.constant 0 : i32
    %dma_start3A_4 = tpu.memref_slice %arg2[%dma_start3A, %dma_start3A_3] : memref<30720x1024xf32, #tpu.memory_space<hbm>> -> memref<30720x1024xf32, #tpu.memory_space<hbm>>
    tpu.enqueue_indirect_dma source(%dma_start3A_4 : memref<30720x1024xf32, #tpu.memory_space<hbm>>) target(%arg6 : memref<32x1024xf32, #tpu.memory_space<vmem>>) offsets(%arg5 : memref<32xi32, #tpu.memory_space<vmem>>) semaphore(%arg7 : memref<!tpu.dma_semaphore, #tpu.memory_space<semaphore_mem>>)
    %dma_wait3A = arith.constant 0 : i32
    %dma_wait3A_5 = arith.constant 0 : i32
    %dma_wait3A_6 = tpu.memref_slice %arg2[%dma_wait3A, %dma_wait3A_5] : memref<30720x1024xf32, #tpu.memory_space<hbm>> -> memref<30720x1024xf32, #tpu.memory_space<hbm>>
    tpu.wait_indirect_dma semaphore(%arg7 : memref<!tpu.dma_semaphore, #tpu.memory_space<semaphore_mem>>) src(%dma_wait3A_6 : memref<30720x1024xf32, #tpu.memory_space<hbm>>) dst(%arg6 : memref<32x1024xf32, #tpu.memory_space<vmem>>)
    "tpu.region"() ({
      %run_scoped3A = tpu.sem_alloc : memref<!tpu.dma_semaphore, #tpu.memory_space<semaphore_mem>>
      %dma_start3A_7 = arith.constant 0 : i32
      %dma_start3A_8 = tpu.memref_slice %arg4[%mul3A_2, %dma_start3A_7] : memref<1024x1024xf32, #tpu.memory_space<hbm>> -> memref<32x1024xf32, #tpu.memory_space<hbm>>
      %dma_start3A_9 = arith.constant 0 : i32
      %dma_start3A_10 = tpu.memref_slice %arg4[%mul3A_2, %dma_start3A_9] : memref<1024x1024xf32, #tpu.memory_space<hbm>> -> memref<32x1024xf32, #tpu.memory_space<hbm>>
      tpu.enqueue_dma source(%arg6 : memref<32x1024xf32, #tpu.memory_space<vmem>>) target(%dma_start3A_10 : memref<32x1024xf32, #tpu.memory_space<hbm>>) target_semaphore(%run_scoped3A : memref<!tpu.dma_semaphore, #tpu.memory_space<semaphore_mem>>)
      %dma_wait3A_11 = arith.constant 0 : i32
      %dma_wait3A_12 = tpu.memref_slice %arg4[%mul3A_2, %dma_wait3A_11] : memref<1024x1024xf32, #tpu.memory_space<hbm>> -> memref<32x1024xf32, #tpu.memory_space<hbm>>
      %dma_wait3A_13 = arith.constant 0 : i32
      %dma_wait3A_14 = tpu.memref_slice %arg4[%mul3A_2, %dma_wait3A_13] : memref<1024x1024xf32, #tpu.memory_space<hbm>> -> memref<32x1024xf32, #tpu.memory_space<hbm>>
      tpu.wait_dma2 semaphore(%run_scoped3A : memref<!tpu.dma_semaphore, #tpu.memory_space<semaphore_mem>>) src(%arg6 : memref<32x1024xf32, #tpu.memory_space<vmem>>) dst(%dma_wait3A_14 : memref<32x1024xf32, #tpu.memory_space<hbm>>)
      tpu.yield
    }) : () -> ()
    return
  }
}

module attributes {stable_mosaic.version = 14 : i64} {
  func.func @_score_body(%arg0: i32, %arg1: memref<1920x1024xf32, #tpu.memory_space<vmem>>, %arg2: memref<1920x1xf32, #tpu.memory_space<vmem>>, %arg3: memref<1024x128xf32, #tpu.memory_space<vmem>>, %arg4: memref<1x128xf32, #tpu.memory_space<vmem>>, %arg5: memref<128x1xf32, #tpu.memory_space<vmem>>, %arg6: memref<1x1xf32, #tpu.memory_space<vmem>>, %arg7: memref<1920x1xf32, #tpu.memory_space<vmem>>) attributes {dimension_semantics = [#tpu.dimension_semantics<arbitrary>], iteration_bounds = array<i64: 16>, scalar_prefetch = 0 : i64, scratch_operands = 0 : i64, tpu.core_type = #tpu.core_type<tc>, window_params = [{transform_indices = @transform_0, window_bounds = array<i64: 1920, 1024>}, {transform_indices = @transform_1, window_bounds = array<i64: 1920, 1>}, {pipeline_mode = #tpu.pipeline_mode<synchronous>, transform_indices = @transform_2, window_bounds = array<i64: 1024, 128>}, {pipeline_mode = #tpu.pipeline_mode<synchronous>, transform_indices = @transform_3, window_bounds = array<i64: 1, 128>}, {pipeline_mode = #tpu.pipeline_mode<synchronous>, transform_indices = @transform_4, window_bounds = array<i64: 128, 1>}, {pipeline_mode = #tpu.pipeline_mode<synchronous>, transform_indices = @transform_5, window_bounds = array<i64: 1, 1>}, {transform_indices = @transform_6, window_bounds = array<i64: 1920, 1>}]} {
    %get3A = arith.constant 0 : index
    %get3A_0 = arith.constant 0 : index
    %get3A_1 = vector.load %arg1[%get3A, %get3A_0] : memref<1920x1024xf32, #tpu.memory_space<vmem>>, vector<1920x1024xf32>
    %get3A_2 = arith.constant 0 : index
    %get3A_3 = arith.constant 0 : index
    %get3A_4 = vector.load %arg3[%get3A_2, %get3A_3] : memref<1024x128xf32, #tpu.memory_space<vmem>>, vector<1024x128xf32>
    %dot_general3A = arith.constant dense<0.000000e+00> : vector<1920x128xf32>
    %dot_general3A_5 = tpu.matmul %get3A_1, %get3A_4, %dot_general3A {dimension_numbers = #tpu.dot_dimension_numbers<[1], [0], [0], [1], [0, 0, 1, 1], [], []>, transpose_lhs_hint = false} : vector<1920x1024xf32>, vector<1024x128xf32>, vector<1920x128xf32> -> vector<1920x128xf32>
    %get3A_6 = arith.constant 0 : index
    %get3A_7 = arith.constant 0 : index
    %get3A_8 = vector.load %arg4[%get3A_6, %get3A_7] : memref<1x128xf32, #tpu.memory_space<vmem>>, vector<1x128xf32>
    %add3A = vector.broadcast %get3A_8 : vector<1x128xf32> to vector<1920x128xf32>
    %add3A_9 = arith.addf %dot_general3A_5, %add3A : vector<1920x128xf32>
    %max3A = arith.constant 0.000000e+00 : f32
    %max3A_10 = vector.broadcast %max3A : f32 to vector<1920x128xf32>
    %max3A_11 = arith.maximumf %add3A_9, %max3A_10 : vector<1920x128xf32>
    %get3A_12 = arith.constant 0 : index
    %get3A_13 = arith.constant 0 : index
    %get3A_14 = vector.load %arg5[%get3A_12, %get3A_13] : memref<128x1xf32, #tpu.memory_space<vmem>>, vector<128x1xf32>
    %dot_general3A_15 = arith.constant dense<0.000000e+00> : vector<1920x1xf32>
    %dot_general3A_16 = tpu.matmul %max3A_11, %get3A_14, %dot_general3A_15 {dimension_numbers = #tpu.dot_dimension_numbers<[1], [0], [0], [1], [0, 0, 1, 1], [], []>, transpose_lhs_hint = false} : vector<1920x128xf32>, vector<128x1xf32>, vector<1920x1xf32> -> vector<1920x1xf32>
    %get3A_17 = arith.constant 0 : index
    %get3A_18 = arith.constant 0 : index
    %get3A_19 = vector.load %arg6[%get3A_17, %get3A_18] : memref<1x1xf32, #tpu.memory_space<vmem>>, vector<1x1xf32>
    %add3A_20 = vector.broadcast %get3A_19 : vector<1x1xf32> to vector<1920x1xf32>
    %add3A_21 = arith.addf %dot_general3A_16, %add3A_20 : vector<1920x1xf32>
    %get3A_22 = arith.constant 0 : index
    %get3A_23 = arith.constant 0 : index
    %get3A_24 = vector.load %arg2[%get3A_22, %get3A_23] : memref<1920x1xf32, #tpu.memory_space<vmem>>, vector<1920x1xf32>
    %sub3A = arith.constant 1.000000e+00 : f32
    %sub3A_25 = vector.broadcast %sub3A : f32 to vector<1920x1xf32>
    %sub3A_26 = arith.subf %sub3A_25, %get3A_24 : vector<1920x1xf32>
    %mul3A = arith.constant 1.000000e+04 : f32
    %mul3A_27 = vector.broadcast %mul3A : f32 to vector<1920x1xf32>
    %mul3A_28 = arith.mulf %sub3A_26, %mul3A_27 : vector<1920x1xf32>
    %sub3A_29 = arith.subf %add3A_21, %mul3A_28 : vector<1920x1xf32>
    %swap3A = arith.constant 0 : index
    %swap3A_30 = arith.constant 0 : index
    %swap3A_31 = vector.load %arg7[%swap3A, %swap3A_30] : memref<1920x1xf32, #tpu.memory_space<vmem>>, vector<1920x1xf32>
    tpu.vector_store %arg7[%swap3A, %swap3A_30], %sub3A_29 {strides = array<i32>} : memref<1920x1xf32, #tpu.memory_space<vmem>>, vector<1920x1xf32>,
    return
  }
  func.func @transform_0(%arg0: i32) -> (i32, i32) {
    %c0_i32 = arith.constant 0 : i32
    %c0_i32_0 = arith.constant 0 : i32
    return %arg0, %c0_i32 : i32, i32
  }
  func.func @transform_1(%arg0: i32) -> (i32, i32) {
    %c0_i32 = arith.constant 0 : i32
    %c0_i32_0 = arith.constant 0 : i32
    return %arg0, %c0_i32 : i32, i32
  }
  func.func @transform_2(%arg0: i32) -> (i32, i32) {
    %c0_i32 = arith.constant 0 : i32
    %c0_i32_0 = arith.constant 0 : i32
    %c0_i32_1 = arith.constant 0 : i32
    return %c0_i32, %c0_i32_0 : i32, i32
  }
  func.func @transform_3(%arg0: i32) -> (i32, i32) {
    %c0_i32 = arith.constant 0 : i32
    %c0_i32_0 = arith.constant 0 : i32
    %c0_i32_1 = arith.constant 0 : i32
    return %c0_i32, %c0_i32_0 : i32, i32
  }
  func.func @transform_4(%arg0: i32) -> (i32, i32) {
    %c0_i32 = arith.constant 0 : i32
    %c0_i32_0 = arith.constant 0 : i32
    %c0_i32_1 = arith.constant 0 : i32
    return %c0_i32, %c0_i32_0 : i32, i32
  }
  func.func @transform_5(%arg0: i32) -> (i32, i32) {
    %c0_i32 = arith.constant 0 : i32
    %c0_i32_0 = arith.constant 0 : i32
    %c0_i32_1 = arith.constant 0 : i32
    return %c0_i32, %c0_i32_0 : i32, i32
  }
  func.func @transform_6(%arg0: i32) -> (i32, i32) {
    %c0_i32 = arith.constant 0 : i32
    %c0_i32_0 = arith.constant 0 : i32
    return %arg0, %c0_i32 : i32, i32
  }
}

module attributes {stable_mosaic.version = 14 : i64} {
  func.func @_topk_body(%arg0: memref<240x128xf32, #tpu.memory_space<vmem>>, %arg1: memref<240x128xf32, #tpu.memory_space<vmem>>, %arg2: memref<240x128xf32, #tpu.memory_space<vmem>>, %arg3: memref<1x1024xi32, #tpu.memory_space<vmem>>, %arg4: memref<1x1024xf32, #tpu.memory_space<vmem>>, %arg5: memref<1x1024xf32, #tpu.memory_space<vmem>>, %arg6: memref<1x1024xf32, #tpu.memory_space<vmem>>, %arg7: memref<819x819xf32, #tpu.memory_space<vmem>>, %arg8: memref<819x819xf32, #tpu.memory_space<vmem>>) attributes {dimension_semantics = [], scalar_prefetch = 0 : i64, scratch_operands = 0 : i64, tpu.core_type = #tpu.core_type<tc>} {
    %get3A = arith.constant 0 : index
    %get3A_0 = arith.constant 0 : index
    %get3A_1 = vector.load %arg0[%get3A, %get3A_0] : memref<240x128xf32, #tpu.memory_space<vmem>>, vector<240x128xf32>
    %bitcast_convert_type3A = tpu.bitcast %get3A_1 : vector<240x128xf32> -> vector<240x128xi32>
    %shift_right_arithmetic3A = arith.constant 31 : i32
    %shift_right_arithmetic3A_2 = vector.broadcast %shift_right_arithmetic3A : i32 to vector<240x128xi32>
    %shift_right_arithmetic3A_3 = arith.shrsi %bitcast_convert_type3A, %shift_right_arithmetic3A_2 : vector<240x128xi32>
    %and3A = arith.constant 2147483647 : i32
    %and3A_4 = vector.broadcast %and3A : i32 to vector<240x128xi32>
    %and3A_5 = arith.andi %shift_right_arithmetic3A_3, %and3A_4 : vector<240x128xi32>
    %xor3A = arith.xori %bitcast_convert_type3A, %and3A_5 : vector<240x128xi32>
    %ge3A = arith.constant 0 : i32
    %ge3A_6 = vector.broadcast %ge3A : i32 to vector<240x128xi32>
    %ge3A_7 = arith.cmpi sge, %xor3A, %ge3A_6 : vector<240x128xi32>
    %convert_element_type3A = arith.extui %ge3A_7 : vector<240x128xi1> to vector<240x128xi32>
    %reduce_sum3A = vector.shape_cast %convert_element_type3A : vector<240x128xi32> to vector<1x240x128xi32>
    %reduce_sum3A_8 = arith.constant dense<0> : vector<1xi32>
    %reduce_sum3A_9 = vector.multi_reduction <add>, %reduce_sum3A, %reduce_sum3A_8 [1, 2] : vector<1x240x128xi32> to vector<1xi32>
    %reduce_sum3A_10 = vector.shape_cast %reduce_sum3A_9 : vector<1xi32> to vector<1x1x1xi32>
    %reduce_sum3A_11 = vector.extract %reduce_sum3A_10[0, 0, 0] : i32 from vector<1x1x1xi32>
    %ge3A_12 = arith.constant 819 : i32
    %ge3A_13 = arith.cmpi sge, %reduce_sum3A_11, %ge3A_12 : i32
    %jit3A = arith.constant 0 : i32
    %jit3A_14 = arith.constant -2147483648 : i32
    %select_n3A = arith.select %ge3A_13, %jit3A, %jit3A_14 : i32
    %jit3A_15 = arith.constant 2147483647 : i32
    %jit3A_16 = arith.constant -1 : i32
    %select_n3A_17 = arith.select %ge3A_13, %jit3A_15, %jit3A_16 : i32
    %scan3A = arith.constant 819 : i32
    %scan3A_18 = arith.constant 0 : i32
    %scan3A_19 = arith.constant 31 : i32
    %scan3A_20 = arith.addi %scan3A_18, %scan3A_19 : i32
    %scan3A_21 = arith.constant 1 : i32
    %scan3A_22:2 = scf.for %scan3A_161 = %scan3A_18 to %scan3A_20 step %scan3A_21 iter_args(%scan3A_162 = %select_n3A, %scan3A_163 = %select_n3A_17) -> (i32, i32)  : i32 {
      %sub3A_164 = arith.subi %scan3A_163, %scan3A_162 : i32
      %shift_right_arithmetic3A_165 = arith.constant 1 : i32
      %shift_right_arithmetic3A_166 = arith.shrsi %sub3A_164, %shift_right_arithmetic3A_165 : i32
      %add3A_167 = arith.addi %scan3A_162, %shift_right_arithmetic3A_166 : i32
      %and3A_168 = arith.constant 1 : i32
      %and3A_169 = arith.andi %sub3A_164, %and3A_168 : i32
      %add3A_170 = arith.addi %add3A_167, %and3A_169 : i32
      %ge3A_171 = vector.broadcast %add3A_170 : i32 to vector<240x128xi32>
      %ge3A_172 = arith.cmpi sge, %xor3A, %ge3A_171 : vector<240x128xi32>
      %convert_element_type3A_173 = arith.extui %ge3A_172 : vector<240x128xi1> to vector<240x128xi32>
      %reduce_sum3A_174 = vector.shape_cast %convert_element_type3A_173 : vector<240x128xi32> to vector<1x240x128xi32>
      %reduce_sum3A_175 = arith.constant dense<0> : vector<1xi32>
      %reduce_sum3A_176 = vector.multi_reduction <add>, %reduce_sum3A_174, %reduce_sum3A_175 [1, 2] : vector<1x240x128xi32> to vector<1xi32>
      %reduce_sum3A_177 = vector.shape_cast %reduce_sum3A_176 : vector<1xi32> to vector<1x1x1xi32>
      %reduce_sum3A_178 = vector.extract %reduce_sum3A_177[0, 0, 0] : i32 from vector<1x1x1xi32>
      %ge3A_179 = arith.cmpi sge, %reduce_sum3A_178, %scan3A : i32
      %select_n3A_180 = arith.select %ge3A_179, %add3A_170, %scan3A_162 : i32
      %sub3A_181 = arith.constant 1 : i32
      %sub3A_182 = arith.subi %add3A_170, %sub3A_181 : i32
      %select_n3A_183 = arith.select %ge3A_179, %scan3A_163, %sub3A_182 : i32
      scf.yield %select_n3A_180, %select_n3A_183 : i32, i32
    }
    %gt3A = vector.broadcast %scan3A_22#0 : i32 to vector<240x128xi32>
    %gt3A_23 = arith.cmpi sgt, %xor3A, %gt3A : vector<240x128xi32>
    %eq3A = vector.broadcast %scan3A_22#0 : i32 to vector<240x128xi32>
    %eq3A_24 = arith.cmpi eq, %xor3A, %eq3A : vector<240x128xi32>
    %convert_element_type3A_25 = arith.extui %eq3A_24 : vector<240x128xi1> to vector<240x128xi32>
    %convert_element_type3A_26 = arith.sitofp %convert_element_type3A_25 : vector<240x128xi32> to vector<240x128xf32>
    %convert_element_type3A_27 = arith.extui %gt3A_23 : vector<240x128xi1> to vector<240x128xi32>
    %convert_element_type3A_28 = arith.sitofp %convert_element_type3A_27 : vector<240x128xi32> to vector<240x128xf32>
    %reduce_sum3A_29 = vector.shape_cast %convert_element_type3A_28 : vector<240x128xf32> to vector<1x240x128xf32>
    %reduce_sum3A_30 = arith.constant dense<0.000000e+00> : vector<1xf32>
    %reduce_sum3A_31 = vector.multi_reduction <add>, %reduce_sum3A_29, %reduce_sum3A_30 [1, 2] : vector<1x240x128xf32> to vector<1xf32>
    %reduce_sum3A_32 = vector.shape_cast %reduce_sum3A_31 : vector<1xf32> to vector<1x1x1xf32>
    %reduce_sum3A_33 = vector.extract %reduce_sum3A_32[0, 0, 0] : f32 from vector<1x1x1xf32>
    %sub3A = arith.constant 8.190000e+02 : f32
    %sub3A_34 = arith.subf %sub3A, %reduce_sum3A_33 : f32
    %iota3A = tpu.iota {dimensions = array<i32: 0>} : vector<128x128xi32>
    %iota3A_35 = tpu.iota {dimensions = array<i32: 1>} : vector<128x128xi32>
    %le3A = arith.cmpi sle, %iota3A, %iota3A_35 : vector<128x128xi32>
    %convert_element_type3A_36 = arith.extui %le3A : vector<128x128xi1> to vector<128x128xi32>
    %convert_element_type3A_37 = arith.sitofp %convert_element_type3A_36 : vector<128x128xi32> to vector<128x128xf32>
    %iota3A_38 = tpu.iota {dimensions = array<i32: 0>} : vector<240x240xi32>
    %iota3A_39 = tpu.iota {dimensions = array<i32: 1>} : vector<240x240xi32>
    %lt3A = arith.cmpi slt, %iota3A_39, %iota3A_38 : vector<240x240xi32>
    %convert_element_type3A_40 = arith.extui %lt3A : vector<240x240xi1> to vector<240x240xi32>
    %convert_element_type3A_41 = arith.sitofp %convert_element_type3A_40 : vector<240x240xi32> to vector<240x240xf32>
    %dot_general3A = arith.constant dense<0.000000e+00> : vector<240x128xf32>
    %dot_general3A_42 = tpu.matmul %convert_element_type3A_26, %convert_element_type3A_37, %dot_general3A {dimension_numbers = #tpu.dot_dimension_numbers<[1], [0], [0], [1], [0, 0, 1, 1], [], []>, precision = #tpu.contract_precision<fp32>, transpose_lhs_hint = false} : vector<240x128xf32>, vector<128x128xf32>, vector<240x128xf32> -> vector<240x128xf32>
    %slice3A = vector.extract_strided_slice %dot_general3A_42 {offsets = [0, 127], sizes = [240, 1], strides = [1, 1]} : vector<240x128xf32> to vector<240x1xf32>
    %dot_general3A_43 = arith.constant dense<0.000000e+00> : vector<240x1xf32>
    %dot_general3A_44 = tpu.matmul %convert_element_type3A_41, %slice3A, %dot_general3A_43 {dimension_numbers = #tpu.dot_dimension_numbers<[1], [0], [0], [1], [0, 0, 1, 1], [], []>, precision = #tpu.contract_precision<fp32>, transpose_lhs_hint = false} : vector<240x240xf32>, vector<240x1xf32>, vector<240x1xf32> -> vector<240x1xf32>
    %add3A = vector.broadcast %dot_general3A_44 : vector<240x1xf32> to vector<240x128xf32>
    %add3A_45 = arith.addf %dot_general3A_42, %add3A : vector<240x128xf32>
    %sub3A_46 = arith.subf %add3A_45, %convert_element_type3A_26 : vector<240x128xf32>
    %lt3A_47 = vector.broadcast %sub3A_34 : f32 to vector<240x128xf32>
    %lt3A_48 = arith.cmpf olt, %sub3A_46, %lt3A_47 : vector<240x128xf32>
    %and3A_49 = arith.andi %eq3A_24, %lt3A_48 : vector<240x128xi1>
    %or3A = arith.ori %gt3A_23, %and3A_49 : vector<240x128xi1>
    %convert_element_type3A_50 = arith.extui %or3A : vector<240x128xi1> to vector<240x128xi32>
    %convert_element_type3A_51 = arith.sitofp %convert_element_type3A_50 : vector<240x128xi32> to vector<240x128xf32>
    %dot_general3A_52 = arith.constant dense<0.000000e+00> : vector<240x128xf32>
    %dot_general3A_53 = tpu.matmul %convert_element_type3A_51, %convert_element_type3A_37, %dot_general3A_52 {dimension_numbers = #tpu.dot_dimension_numbers<[1], [0], [0], [1], [0, 0, 1, 1], [], []>, precision = #tpu.contract_precision<fp32>, transpose_lhs_hint = false} : vector<240x128xf32>, vector<128x128xf32>, vector<240x128xf32> -> vector<240x128xf32>
    %slice3A_54 = vector.extract_strided_slice %dot_general3A_53 {offsets = [0, 127], sizes = [240, 1], strides = [1, 1]} : vector<240x128xf32> to vector<240x1xf32>
    %dot_general3A_55 = arith.constant dense<0.000000e+00> : vector<240x1xf32>
    %dot_general3A_56 = tpu.matmul %convert_element_type3A_41, %slice3A_54, %dot_general3A_55 {dimension_numbers = #tpu.dot_dimension_numbers<[1], [0], [0], [1], [0, 0, 1, 1], [], []>, precision = #tpu.contract_precision<fp32>, transpose_lhs_hint = false} : vector<240x240xf32>, vector<240x1xf32>, vector<240x1xf32> -> vector<240x1xf32>
    %add3A_57 = vector.broadcast %dot_general3A_56 : vector<240x1xf32> to vector<240x128xf32>
    %add3A_58 = arith.addf %dot_general3A_53, %add3A_57 : vector<240x128xf32>
    %add3A_59 = arith.addf %dot_general3A_56, %slice3A_54 : vector<240x1xf32>
    %iota3A_60 = tpu.iota {dimensions = array<i32: 1>} : vector<1x1024xi32>
    %convert_element_type3A_61 = arith.sitofp %iota3A_60 : vector<1x1024xi32> to vector<1x1024xf32>
    %add3A_62 = arith.constant 1.000000e+00 : f32
    %add3A_63 = vector.broadcast %add3A_62 : f32 to vector<1x1024xf32>
    %add3A_64 = arith.addf %convert_element_type3A_61, %add3A_63 : vector<1x1024xf32>
    %lt3A_65 = vector.broadcast %add3A_59 : vector<240x1xf32> to vector<240x1024xf32>
    %lt3A_66 = vector.broadcast %add3A_64 : vector<1x1024xf32> to vector<240x1024xf32>
    %lt3A_67 = arith.cmpf olt, %lt3A_65, %lt3A_66 : vector<240x1024xf32>
    %convert_element_type3A_68 = arith.extui %lt3A_67 : vector<240x1024xi1> to vector<240x1024xi32>
    %convert_element_type3A_69 = arith.sitofp %convert_element_type3A_68 : vector<240x1024xi32> to vector<240x1024xf32>
    %broadcast_in_dim3A = arith.constant 1.000000e+00 : f32
    %broadcast_in_dim3A_70 = vector.broadcast %broadcast_in_dim3A : f32 to vector<1x240xf32>
    %dot_general3A_71 = arith.constant dense<0.000000e+00> : vector<1x1024xf32>
    %dot_general3A_72 = tpu.matmul %broadcast_in_dim3A_70, %convert_element_type3A_69, %dot_general3A_71 {dimension_numbers = #tpu.dot_dimension_numbers<[1], [0], [0], [1], [0, 0, 1, 1], [], []>, precision = #tpu.contract_precision<fp32>, transpose_lhs_hint = false} : vector<1x240xf32>, vector<240x1024xf32>, vector<1x1024xf32> -> vector<1x1024xf32>
    %iota3A_73 = tpu.iota {dimensions = array<i32: 0>} : vector<240x1024xi32>
    %convert_element_type3A_74 = arith.sitofp %iota3A_73 : vector<240x1024xi32> to vector<240x1024xf32>
    %eq3A_75 = vector.broadcast %dot_general3A_72 : vector<1x1024xf32> to vector<240x1024xf32>
    %eq3A_76 = arith.cmpf oeq, %convert_element_type3A_74, %eq3A_75 : vector<240x1024xf32>
    %convert_element_type3A_77 = arith.extui %eq3A_76 : vector<240x1024xi1> to vector<240x1024xi32>
    %convert_element_type3A_78 = arith.sitofp %convert_element_type3A_77 : vector<240x1024xi32> to vector<240x1024xf32>
    %dot_general3A_79 = arith.constant dense<0.000000e+00> : vector<128x1024xf32>
    %dot_general3A_80 = tpu.matmul %add3A_58, %convert_element_type3A_78, %dot_general3A_79 {dimension_numbers = #tpu.dot_dimension_numbers<[0], [0], [1], [1], [0, 1, 1, 1], [], []>, precision = #tpu.contract_precision<fp32>, transpose_lhs_hint = false} : vector<240x128xf32>, vector<240x1024xf32>, vector<128x1024xf32> -> vector<128x1024xf32>
    %lt3A_81 = vector.broadcast %add3A_64 : vector<1x1024xf32> to vector<128x1024xf32>
    %lt3A_82 = arith.cmpf olt, %dot_general3A_80, %lt3A_81 : vector<128x1024xf32>
    %convert_element_type3A_83 = arith.extui %lt3A_82 : vector<128x1024xi1> to vector<128x1024xi32>
    %convert_element_type3A_84 = arith.sitofp %convert_element_type3A_83 : vector<128x1024xi32> to vector<128x1024xf32>
    %reduce_sum3A_85 = arith.constant dense<0.000000e+00> : vector<1024xf32>
    %reduce_sum3A_86 = vector.multi_reduction <add>, %convert_element_type3A_84, %reduce_sum3A_85 [0] : vector<128x1024xf32> to vector<1024xf32>
    %broadcast_in_dim3A_87 = vector.shape_cast %reduce_sum3A_86 : vector<1024xf32> to vector<1x1024xf32>
    %le3A_88 = arith.constant 8.190000e+02 : f32
    %le3A_89 = vector.broadcast %le3A_88 : f32 to vector<1x1024xf32>
    %le3A_90 = arith.cmpf ole, %add3A_64, %le3A_89 : vector<1x1024xf32>
    %mul3A = arith.constant 1.280000e+02 : f32
    %mul3A_91 = vector.broadcast %mul3A : f32 to vector<1x1024xf32>
    %mul3A_92 = arith.mulf %dot_general3A_72, %mul3A_91 : vector<1x1024xf32>
    %add3A_93 = arith.addf %mul3A_92, %broadcast_in_dim3A_87 : vector<1x1024xf32>
    %jit3A_94 = arith.constant 0.000000e+00 : f32
    %broadcast_in_dim3A_95 = vector.broadcast %jit3A_94 : f32 to vector<1x1024xf32>
    %select_n3A_96 = arith.select %le3A_90, %add3A_93, %broadcast_in_dim3A_95 : vector<1x1024xi1>, vector<1x1024xf32>
    %convert_element_type3A_97 = arith.fptosi %select_n3A_96 : vector<1x1024xf32> to vector<1x1024xi32>
    %swap3A = arith.constant 0 : index
    %swap3A_98 = arith.constant 0 : index
    %swap3A_99 = vector.load %arg3[%swap3A, %swap3A_98] : memref<1x1024xi32, #tpu.memory_space<vmem>>, vector<1x1024xi32>
    tpu.vector_store %arg3[%swap3A, %swap3A_98], %convert_element_type3A_97 {strides = array<i32>} : memref<1x1024xi32, #tpu.memory_space<vmem>>, vector<1x1024xi32>,
    %iota3A_100 = tpu.iota {dimensions = array<i32: 0>} : vector<128x1024xi32>
    %convert_element_type3A_101 = arith.sitofp %iota3A_100 : vector<128x1024xi32> to vector<128x1024xf32>
    %eq3A_102 = vector.broadcast %broadcast_in_dim3A_87 : vector<1x1024xf32> to vector<128x1024xf32>
    %eq3A_103 = arith.cmpf oeq, %convert_element_type3A_101, %eq3A_102 : vector<128x1024xf32>
    %convert_element_type3A_104 = arith.extui %eq3A_103 : vector<128x1024xi1> to vector<128x1024xi32>
    %convert_element_type3A_105 = arith.sitofp %convert_element_type3A_104 : vector<128x1024xi32> to vector<128x1024xf32>
    %dot_general3A_106 = arith.constant dense<0.000000e+00> : vector<128x1024xf32>
    %dot_general3A_107 = tpu.matmul %get3A_1, %convert_element_type3A_78, %dot_general3A_106 {dimension_numbers = #tpu.dot_dimension_numbers<[0], [0], [1], [1], [0, 1, 1, 1], [], []>, precision = #tpu.contract_precision<fp32>, transpose_lhs_hint = false} : vector<240x128xf32>, vector<240x1024xf32>, vector<128x1024xf32> -> vector<128x1024xf32>
    %mul3A_108 = arith.mulf %dot_general3A_107, %convert_element_type3A_105 : vector<128x1024xf32>
    %reduce_sum3A_109 = arith.constant dense<0.000000e+00> : vector<1024xf32>
    %reduce_sum3A_110 = vector.multi_reduction <add>, %mul3A_108, %reduce_sum3A_109 [0] : vector<128x1024xf32> to vector<1024xf32>
    %broadcast_in_dim3A_111 = vector.shape_cast %reduce_sum3A_110 : vector<1024xf32> to vector<1x1024xf32>
    %jit3A_112 = arith.constant 0.000000e+00 : f32
    %broadcast_in_dim3A_113 = vector.broadcast %jit3A_112 : f32 to vector<1x1024xf32>
    %select_n3A_114 = arith.select %le3A_90, %broadcast_in_dim3A_111, %broadcast_in_dim3A_113 : vector<1x1024xi1>, vector<1x1024xf32>
    %swap3A_115 = arith.constant 0 : index
    %swap3A_116 = arith.constant 0 : index
    %swap3A_117 = vector.load %arg4[%swap3A_115, %swap3A_116] : memref<1x1024xf32, #tpu.memory_space<vmem>>, vector<1x1024xf32>
    tpu.vector_store %arg4[%swap3A_115, %swap3A_116], %select_n3A_114 {strides = array<i32>} : memref<1x1024xf32, #tpu.memory_space<vmem>>, vector<1x1024xf32>,
    %get3A_118 = arith.constant 0 : index
    %get3A_119 = arith.constant 0 : index
    %get3A_120 = vector.load %arg1[%get3A_118, %get3A_119] : memref<240x128xf32, #tpu.memory_space<vmem>>, vector<240x128xf32>
    %dot_general3A_121 = arith.constant dense<0.000000e+00> : vector<128x1024xf32>
    %dot_general3A_122 = tpu.matmul %get3A_120, %convert_element_type3A_78, %dot_general3A_121 {dimension_numbers = #tpu.dot_dimension_numbers<[0], [0], [1], [1], [0, 1, 1, 1], [], []>, precision = #tpu.contract_precision<fp32>, transpose_lhs_hint = false} : vector<240x128xf32>, vector<240x1024xf32>, vector<128x1024xf32> -> vector<128x1024xf32>
    %mul3A_123 = arith.mulf %dot_general3A_122, %convert_element_type3A_105 : vector<128x1024xf32>
    %reduce_sum3A_124 = arith.constant dense<0.000000e+00> : vector<1024xf32>
    %reduce_sum3A_125 = vector.multi_reduction <add>, %mul3A_123, %reduce_sum3A_124 [0] : vector<128x1024xf32> to vector<1024xf32>
    %broadcast_in_dim3A_126 = vector.shape_cast %reduce_sum3A_125 : vector<1024xf32> to vector<1x1024xf32>
    %jit3A_127 = arith.constant 0.000000e+00 : f32
    %broadcast_in_dim3A_128 = vector.broadcast %jit3A_127 : f32 to vector<1x1024xf32>
    %select_n3A_129 = arith.select %le3A_90, %broadcast_in_dim3A_126, %broadcast_in_dim3A_128 : vector<1x1024xi1>, vector<1x1024xf32>
    %swap3A_130 = arith.constant 0 : index
    %swap3A_131 = arith.constant 0 : index
    %swap3A_132 = vector.load %arg5[%swap3A_130, %swap3A_131] : memref<1x1024xf32, #tpu.memory_space<vmem>>, vector<1x1024xf32>
    tpu.vector_store %arg5[%swap3A_130, %swap3A_131], %select_n3A_129 {strides = array<i32>} : memref<1x1024xf32, #tpu.memory_space<vmem>>, vector<1x1024xf32>,
    %get3A_133 = arith.constant 0 : index
    %get3A_134 = arith.constant 0 : index
    %get3A_135 = vector.load %arg2[%get3A_133, %get3A_134] : memref<240x128xf32, #tpu.memory_space<vmem>>, vector<240x128xf32>
    %dot_general3A_136 = arith.constant dense<0.000000e+00> : vector<128x1024xf32>
    %dot_general3A_137 = tpu.matmul %get3A_135, %convert_element_type3A_78, %dot_general3A_136 {dimension_numbers = #tpu.dot_dimension_numbers<[0], [0], [1], [1], [0, 1, 1, 1], [], []>, precision = #tpu.contract_precision<fp32>, transpose_lhs_hint = false} : vector<240x128xf32>, vector<240x1024xf32>, vector<128x1024xf32> -> vector<128x1024xf32>
    %mul3A_138 = arith.mulf %dot_general3A_137, %convert_element_type3A_105 : vector<128x1024xf32>
    %reduce_sum3A_139 = arith.constant dense<0.000000e+00> : vector<1024xf32>
    %reduce_sum3A_140 = vector.multi_reduction <add>, %mul3A_138, %reduce_sum3A_139 [0] : vector<128x1024xf32> to vector<1024xf32>
    %broadcast_in_dim3A_141 = vector.shape_cast %reduce_sum3A_140 : vector<1024xf32> to vector<1x1024xf32>
    %jit3A_142 = arith.constant 0.000000e+00 : f32
    %broadcast_in_dim3A_143 = vector.broadcast %jit3A_142 : f32 to vector<1x1024xf32>
    %select_n3A_144 = arith.select %le3A_90, %broadcast_in_dim3A_141, %broadcast_in_dim3A_143 : vector<1x1024xi1>, vector<1x1024xf32>
    %swap3A_145 = arith.constant 0 : index
    %swap3A_146 = arith.constant 0 : index
    %swap3A_147 = vector.load %arg6[%swap3A_145, %swap3A_146] : memref<1x1024xf32, #tpu.memory_space<vmem>>, vector<1x1024xf32>
    tpu.vector_store %arg6[%swap3A_145, %swap3A_146], %select_n3A_144 {strides = array<i32>} : memref<1x1024xf32, #tpu.memory_space<vmem>>, vector<1x1024xf32>,
    %broadcast_in_dim3A_148 = arith.constant 1.000000e+00 : f32
    %broadcast_in_dim3A_149 = vector.broadcast %broadcast_in_dim3A_148 : f32 to vector<819x819xf32>
    %swap3A_150 = arith.constant 0 : index
    %swap3A_151 = arith.constant 0 : index
    %swap3A_152 = vector.load %arg7[%swap3A_150, %swap3A_151] : memref<819x819xf32, #tpu.memory_space<vmem>>, vector<819x819xf32>
    tpu.vector_store %arg7[%swap3A_150, %swap3A_151], %broadcast_in_dim3A_149 {strides = array<i32>} : memref<819x819xf32, #tpu.memory_space<vmem>>, vector<819x819xf32>,
    %iota3A_153 = tpu.iota {dimensions = array<i32: 0>} : vector<819x819xi32>
    %iota3A_154 = tpu.iota {dimensions = array<i32: 1>} : vector<819x819xi32>
    %le3A_155 = arith.cmpi sle, %iota3A_154, %iota3A_153 : vector<819x819xi32>
    %convert_element_type3A_156 = arith.extui %le3A_155 : vector<819x819xi1> to vector<819x819xi32>
    %convert_element_type3A_157 = arith.sitofp %convert_element_type3A_156 : vector<819x819xi32> to vector<819x819xf32>
    %swap3A_158 = arith.constant 0 : index
    %swap3A_159 = arith.constant 0 : index
    %swap3A_160 = vector.load %arg8[%swap3A_158, %swap3A_159] : memref<819x819xf32, #tpu.memory_space<vmem>>, vector<819x819xf32>
    tpu.vector_store %arg8[%swap3A_158, %swap3A_159], %convert_element_type3A_157 {strides = array<i32>} : memref<819x819xf32, #tpu.memory_space<vmem>>, vector<819x819xf32>,
    return
  }
}

</mosaic_0001>

<sc_bundles>
// kernel: kernel.5.cloned.1.call-start
scs
__scs_entry_jumppad:
0x0: {  	(pc) =	sbr.rel $0x88, $3  }
0x1: {  	(tag) =	ssettag $0x0;
	lr =	simm.s32 $0x1  }
0x2: {  	[smem:$0x3F99] =	sst lr;
	_ =	strace $0xD0000000  }
0x3: {  	_ = 	snop  }
0x4: {  	_ = 	snop  }
0x5: {  	_ = 	snop  }
0x6: {  	_ = 	snop  }
0x7: {  	_ = 	snop  }
__scs_overlays_trampoline_lowered:
0x8: {  	[smem:$0x3FA8] =	sst s0  }
0x9: {  	[smem:$0x3FA9] =	sst s1  }
0xa: {  	[smem:$0x3FAA] =	sst s2  }
0xb: {  	[smem:$0x3FAB] =	sst s3  }
0xc: {  	[smem:$0x3FAC] =	sst s4  }
0xd: {  	[smem:$0x3FAD] =	sst s5  }
0xe: {  	[smem:$0x3FAE] =	sst s6  }
0xf: {  	[smem:$0x3FAF] =	sst s7  }
0x10: {  	[smem:$0x3FB0] =	sst s8  }
0x11: {  	[smem:$0x3FB1] =	sst s9;
	s0 =	simm.s32 @!p0 $0x0  }
0x12: {  	s1 =	sld [smem:$0x3F97];
	s0 =	simm.s32 @p0 $0x1  }
0x13: {  	[smem:$0x3FB2] =	sst s0;
	s0 =	simm.s32 @!p1 $0x0  }
0x14: {  	s2 =	sld [smem:$0x3F96];
	s0 =	simm.s32 @p1 $0x1  }
0x15: {  	[smem:$0x3FB3] =	sst s0;
	s0 =	simm.s32 @!p2 $0x0  }
0x16: {  	s3 =	sld [smem:$0x3FDB];
	s0 =	simm.s32 @p2 $0x1  }
0x17: {  	s4 =	simm.s32 $0x1BF5;
	[smem:$0x3FB5] =	sst s0  }
0x18: {  	s0 =	sld [smem:$0x3F98];
	_ =	swait.ge [sflag:s4], $0x0  }
0x19: {  	s7 =	sld [smem:$0x3F99]  }
0x1a: {  	s8 =	sadd.s32 $0xFFFFE003, lr  }
0x1b: {  	s9 =	sadd.s32 $0xFFFFFEF7, lr;
	s5 =	simm.s32 $0xFFFFFFFF;
	p2 =	slt.u32 s8, $0xFFFFF086  }
0x1c: {  	p1 =	slt.u32 s9, $0xF7A;
	s5 =	simm.s32 @!p2 $0x0  }
0x1d: {  	s5 =	simm.s32 @p1 $0x1;
	p0 =	seq.s32 s7, s2  }
0x1e: {  	s7 =	smul.u32 @!p0 $0xF7A, s2;
	p2 =	seq.s32 @!p0 s5, $0x0  }
0x1f: {  	s9 =	smul.u32 $0xF7A, s1;
	s8 =	simm.s32 @!p0 $0x1BF5;
	p2 =	por !p2, p0  }
0x20: {  	[sflag:s8] =	ssyncset.s32 @!p0 $0xFFFFF086;
	s6 =	sadd.s32 @!p0 s3, s7;
	s7 =	simm.s32 @!p0 $0x108  }
0x21: {  	s3 =	sadd.s32 s3, s9;
	s6 =	sadd.s32 @!p0 $0x88, s6;
	s7 =	simm.s32 @p2 $0x1082  }
0x22: {  	[simem:s7], [sflag:s8] =	dma.local @!p0 [hbm:s6], $0xF7A  }
0x23: {  	s9 =	sor.u32 $0xD0000000, s2;
	s6 =	simm.s32 $0x108;
	_ =	swait.ge @!p0 [sflag:s8], $0x0  }
0x24: {  	s3 =	sadd.s32 $0x88, s3;
	s6 =	simm.s32 @!p1 $0x1082;
	[sflag:s4] =	ssyncset.s32 $0xFFFFF086  }
0x25: {  	[simem:s6], [sflag:s4] =	dma.local [hbm:s3], $0xF7A  }
0x26: {  	[smem:$0x3F99] =	sst s1;
	(tag) =	ssettag s2;
	_ =	strace s9  }
0x27: {  	s1 =	sld [smem:$0x3FA9]  }
0x28: {  	s2 =	sld [smem:$0x3FAA]  }
0x29: {  	s4 =	sld [smem:$0x3FAC]  }
0x2a: {  	p0 =	seq.s32 s5, $0x0;
	s5 =	sld [smem:$0x3FAD]  }
0x2b: {  	s6 =	sld [smem:$0x3FAE]  }
0x2c: {  	s7 =	sld [smem:$0x3FAF]  }
0x2d: {  	s3 =	simm.s32 $0x108;
	s8 =	sld [smem:$0x3FB0]  }
0x2e: {  	s3 =	simm.s32 @!p0 $0x1082;
	s9 =	sld [smem:$0x3FB1]  }
0x2f: {  	lr =	sadd.s32 s0, s3;
	s0 =	sld [smem:$0x3FA8]  }
0x30: {  	s3 =	sld [smem:$0x3FAB]  }
0x31: {  	[smem:$0x3FB4] =	sst s10  }
0x32: {  	s10 =	sld [smem:$0x3FB2];
	_ =	sdelay $0x3  }
0x33: {  	p0 =	seq.s32 s10, $0x1;
	s10 =	sld [smem:$0x3FB4];
	_ =	sdelay $0x3  }
0x34: {  	[smem:$0x3FB4] =	sst s10  }
0x35: {  	s10 =	sld [smem:$0x3FB3];
	_ =	sdelay $0x3  }
0x36: {  	p1 =	seq.s32 s10, $0x1;
	s10 =	sld [smem:$0x3FB4];
	_ =	sdelay $0x3  }
0x37: {  	[smem:$0x3FB4] =	sst s10  }
0x38: {  	s10 =	sld [smem:$0x3FB5]  }
0x39: {  	_ = 	snop;
	(pc) =	sbr.ind lr, $3  }
0x3a: {  	_ = 	snop  }
0x3b: {  	_ = 	snop  }
0x3c: {  	p2 =	seq.s32 s10, $0x1;
	s10 =	sld [smem:$0x3FB4]  }
0x3d: {  	_ =	shalt  }
0x3e: {  	_ =	shalt  }
0x3f: {  	_ =	shalt  }
0x40: {  	_ =	shalt  }
0x41: {  	_ =	shalt  }
0x42: {  	_ =	shalt  }
0x43: {  	_ =	shalt  }
0x44: {  	_ =	shalt  }
0x45: {  	_ =	shalt  }
0x46: {  	_ =	shalt  }
0x47: {  	_ =	shalt  }
0x48: {  	_ =	shalt  }
0x49: {  	_ =	shalt  }
0x4a: {  	_ =	shalt  }
0x4b: {  	_ =	shalt  }
0x4c: {  	_ =	shalt  }
0x4d: {  	_ =	shalt  }
0x4e: {  	_ =	shalt  }
0x4f: {  	_ =	shalt  }
0x50: {  	_ =	shalt  }
0x51: {  	_ =	shalt  }
0x52: {  	_ =	shalt  }
0x53: {  	_ =	shalt  }
0x54: {  	_ =	shalt  }
0x55: {  	_ =	shalt  }
0x56: {  	_ =	shalt  }
0x57: {  	_ =	shalt  }
0x58: {  	_ =	shalt  }
0x59: {  	_ =	shalt  }
0x5a: {  	_ =	shalt  }
0x5b: {  	_ =	shalt  }
0x5c: {  	_ =	shalt  }
0x5d: {  	_ =	shalt  }
0x5e: {  	_ =	shalt  }
0x5f: {  	_ =	shalt  }
0x60: {  	_ =	shalt  }
0x61: {  	_ =	shalt  }
0x62: {  	_ =	shalt  }
0x63: {  	_ =	shalt  }
0x64: {  	_ =	shalt  }
0x65: {  	_ =	shalt  }
0x66: {  	_ =	shalt  }
0x67: {  	_ =	shalt  }
0x68: {  	_ =	shalt  }
0x69: {  	_ =	shalt  }
0x6a: {  	_ =	shalt  }
0x6b: {  	_ =	shalt  }
0x6c: {  	_ =	shalt  }
0x6d: {  	_ =	shalt  }
0x6e: {  	_ =	shalt  }
0x6f: {  	_ =	shalt  }
0x70: {  	_ =	shalt  }
0x71: {  	_ =	shalt  }
0x72: {  	_ =	shalt  }
0x73: {  	_ =	shalt  }
0x74: {  	_ =	shalt  }
0x75: {  	_ =	shalt  }
0x76: {  	_ =	shalt  }
0x77: {  	_ =	shalt  }
0x78: {  	_ =	shalt  }
0x79: {  	_ =	shalt  }
0x7a: {  	_ =	shalt  }
0x7b: {  	_ =	shalt  }
0x7c: {  	_ =	shalt  }
0x7d: {  	_ =	shalt  }
0x7e: {  	_ =	shalt  }
0x7f: {  	_ =	shalt  }
0x80: {  	_ =	shalt  }
0x81: {  	_ =	shalt  }
0x82: {  	_ =	shalt  }
0x83: {  	_ =	shalt  }
0x84: {  	_ =	shalt  }
0x85: {  	_ =	shalt  }
0x86: {  	_ =	shalt  }
0x87: {  	_ =	shalt  }
.Lfunc_end0:
.L_simem_size_0:
called_computation_lowered:
.L_overlay_start_0:
0x88: {  	s2 =	sld [smem:$0x3FD9]  }
0x89: {  	s3 =	sld [smem:$0x3FFE];
	_ =	sdelay $0x1  }
0x8a: {  	s1 =	srdreg.scid  }
0x8b: {  	s0 =	sand.u32 $0x1, s1  }
0x8c: {  	s14 =	sshll.u32 s0, $0xA;
	s2 =	sadd.s32 s3, s2  }
0x8d: {  	s2 =	sadd.s32 s2, s14  }
0x8e: {  	[smem:$0x3FC0] =	sst s2  }
0x8f: {  	_ = 	snop  }
0x90: {  	s2 =	sld [smem:$0x3FD0];
	_ =	sdelay $0x2  }
0x91: {  	s15 =	simm.s32 $0xA;
	s4 =	simm.s32 $0x10  }
0x92: {  	[smem:s4], [sflag:s15] =	dma.local [hbm:s2], $0x1  }
0x93: {  	_ =	swait.eq [sflag:s15], $0x1  }
0x94: {  	[sflag:s15] =	ssyncset.done $0x0  }
0x95: {  	[sflag:s15] =	ssyncadd.s32 $0xFFFFFFFF  }
0x96: {  	s16 =	sld [smem:$0x11];
	(tm) =	ssettm $0x1  }
0x97: {  	s17 =	sld [smem:$0x3FFB];
	_ =	sdelay $0x3  }
0x98: {  	_ =	strace s17  }
0x99: {  	s3 =	sld [smem:$0x3FFC];
	_ =	sdelay $0x3  }
0x9a: {  	_ =	strace s3  }
0x9b: {  	s3 =	sld [smem:$0x3FFD];
	_ =	sdelay $0x3  }
0x9c: {  	_ =	strace s3  }
0x9d: {  	_ =	strace $0x8FFFFFFF  }
0x9e: {  	s18 =	sld [smem:$0x3FDB];
	_ =	sdelay $0x1  }
0x9f: {  	s19 =	simm.s32 $_scs_section_size  }
0xa0: {  	s5 =	simm.s32 $_size__tile_overlayer_lowered;
	s6 =	simm.s32 $_tile_overlayer_lowered  }
0xa1: {  	s22 =	simm.s32 $0x1BFF;
	s21 =	sshll.u32 s6, $0x1;
	s3 =	sadd.s32 s19, s18  }
0xa2: {  	s7 =	simm.s32 $0x0;
	s20 =	sshll.u32 s5, $0x1;
	s5 =	sadd.s32 s21, s3  }
0xa3: {  	[timem:s7], [sflag:s22] =	dma.local [hbm:s5], s20  }
0xa4: {  	_ =	swait.ge [sflag:s22], s20  }
0xa5: {  	s4 =	ssub.s32 $0x0, s20;
	[sflag:s22] =	ssyncset.done $0x0  }
0xa6: {  	[sflag:s22] =	ssyncadd.s32 s4;
	_ =	sdelay $0x1  }
0xa7: {  	s23 =	simm.s32 $0x1B8B  }
0xa8: {  	_ =	swait.ge [sflag:s23], $0x1  }
0xa9: {  	[sflag:s23] =	ssyncset.done $0x0  }
0xaa: {  	s25 =	simm.s32 $0x1B8E;
	s24 =	sld [smem:$0x3FFE];
	[sflag:s23] =	ssyncadd.s32 $0xFFFFFFFF  }
0xab: {  	s26 =	simm.s32 $execute0_lowered;
	[smem:$0x3FD2] =	sst s25  }
0xac: {  	s5 =	sshll.u32 s26, $0x1;
	_ =	strace $0x80000046;
	[dreg:$0x1] =	wrdreg $0xFFFFFFFF  }
0xad: {  	s28 =	simm.s32 $_size_execute0_lowered;
	s3 =	sadd.s32 s3, s5;
	[dreg:$0x0] =	wrdreg $0x0  }
0xae: {  	s5 =	sshll.u32 s28, $0x1;
	[dreg:$0x2] =	wrdreg s3  }
0xaf: {  	[dreg:$0x3] =	wrdreg s5  }
0xb0: {  	[dreg:$0x4] =	wrdreg $0xC0  }
0xb1: {  	_ =	task [dreg:s7], $0x5FFFF  }
0xb2: {  	[dreg:$0x1] =	wrdreg $0xFFFFFFFF  }
0xb3: {  	[dreg:$0x0] =	wrdreg $0x60  }
0xb4: {  	[dreg:$0x2] =	wrdreg s24  }
0xb5: {  	[dreg:$0x3] =	wrdreg s16  }
0xb6: {  	[dreg:$0x4] =	wrdreg $0x9  }
0xb7: {  	_ =	task.clear_ibuf [dreg:s7], $0x5FFFF;
	_ =	strace $0x90000046  }
0xb8: {  	s29 =	simm.s32 $0x9;
	_ =	strace $0x80000048  }
0xb9: {  	_ =	swait.ge [sflag:s29], $0x1  }
0xba: {  	[sflag:s29] =	ssyncadd.s32 $0xFFFFFFFF  }
0xbb: {  	_ =	strace $0x90000048  }
0xbc: {  	_ =	sfence  }
0xbd: {  	s30 =	sld [smem:$0x0];
	_ =	sdelay $0x2  }
0xbe: {  	s31 =	sshll.u32 s1, $0xD;
	s1 =	sshrl.u32 s1, $0x2  }
0xbf: {  	s3 =	sand.u32 $0x4000, s31;
	s1 =	sadd.s32 s1, s30  }
0xc0: {  	s0 =	sor.u32 s3, s0;
	s1 =	sshll.u32 s1, $0x11  }
0xc1: {  	s0 =	sor.u32 s1, s0  }
0xc2: {  	s0 =	sadd.s32 $0x8F2B, s0  }
0xc3: {  	[sflag:s0] =	ssyncadd.remote.s32 $0x1  }
0xc4: {  	_ =	sfence.sel $0xFFFF  }
0xc5: {  	[dreg:$0x0] =	wrdreg $0xFFFFFFFF;
	(pc) =	sbr.abs _section_cstart, $3  }
0xc6: {  	[dreg:$0x1] =	wrdreg $0xFFFFFFFF  }
0xc7: {  	_ =	task.clear_ibuf [dreg:s7], $0x2FFFF;
	_ =	strace $0x9FFFFFFF  }
0xc8: {  	(tm) =	ssettm $0x7FFFFFFF  }
0xc9: {  	_ =	shalt  }
tec
execute0_lowered:
.L_overlay_start_1:
0x0: {  	(tag) =	ssettag $0x1  }
0x1: {  	s7 =	rddreg [dreg:$0x0]  }
0x2: {  	s4 =	rddreg [dreg:$0x1]  }
0x3: {  	s0 =	rddreg [dreg:$0x2];
	s3 =	srdreg.scid  }
0x4: {  	s2 =	simm.s32 $0x0;
	s1 =	stileid.u32;
	s10 =	simm.s32 $0x2  }
0x5: {  	s11 =	simm.s32 $0x80;
	s12 =	simm.s32 $0x880;
	s13 =	simm.s32 $0x1080  }
0x6: {  	s14 =	simm.s32 $0x1880;
	s15 =	simm.s32 $0x2080;
	s16 =	simm.s32 $0x2880  }
0x7: {  	s17 =	simm.s32 $0x3080;
	s18 =	simm.s32 $0x3880;
	s19 =	simm.s32 $0x4080  }
0x8: {  	s20 =	simm.s32 $0x4880;
	s21 =	simm.s32 $0x5080;
	s22 =	simm.s32 $0x5880  }
0x9: {  	s23 =	simm.s32 $0x6080;
	s24 =	simm.s32 $0x6880;
	s25 =	simm.s32 $0x7080  }
0xa: {  	s26 =	simm.s32 $0x7880;
	s28 =	simm.s32 $0x1;
	s3 =	sand.u32 $0x1, s3  }
0xb: {  	[smem:$0x7FF] =	sst s2;
	s5 =	sshll.u32 s1, $0x6;
	s6 =	sshll.u32 s3, $0x5  }
0xc: {  	_ =	strace $0x80000047;
	s31 =	ssub.s32 $0x2, s3;
	s3 =	sadd.s32 $0x401400, s7  }
0xd: {  	s5 =	sor.u32 s6, s5;
	s9 =	sshrl.u32 s31, $0x1;
	s6 =	sadd.s32 $0x401600, s7  }
0xe: {  	v2 =	vlaneseq.u32;
	s8 =	sshll.u32 s5, $0x7;
	s9 =	ssub.s32 s31, s9;
	s5 =	sshrl.u32 s5, $0x3  }
0xf: {  	vm0 =	vmmov $0xffff;
	v1 =	vshrl.u32 v2, $0x3;
	s8 =	sadd.s32 s8, s7;
	s4 =	sadd.s32 s4, s5;
	s5 =	sadd.s32 $0x401500, s7  }
0x10: {  	v0 =	vand.u32 $0x7, v2;
	v2 =	vor.u32 $0x8, v2;
	v1 =	vmul.u32 $0x8, v1;
	s7 =	sadd.s32 $0x401700, s7;
	s9 =	smax.u32 s9, $0x1;
	s8 =	sadd.s32 $0x1400, s8  }
.LBB2_1:
0x11: {  	[tilespmem:s2], [sflag:$0x2] =	stream.linear.gather [hbm4b:s4+s2], $0x20, $0x38;
	[tilespmem:$0x8080] =	vst v63  }
0x12: {  	_ =	swait.ge [sflag:s10], $0x20  }
0x13: {  	[sflag:s10] =	ssyncset.done $0x0  }
0x14: {  	[sflag:s10] =	ssyncadd.s32 $0xFFFFFFE0  }
0x15: {  	v3 =	vld [tilespmem:$0x0];
	_ =	sdelay $0x4  }
0x16: {  	v4 =	vshll.u32 v3, $0x3  }
0x17: {  	v3 =	vand.u32 $0x7, v3;
	v4 =	vand.u32 $0xFFFFFFC0, v4  }
0x18: {  	v3 =	vor.u32 v3, v4  }
0x19: {  	v4 =	vperm.xlane v3, v0;
	_ =	sdelay $0x1  }
0x1a: {  	v4 =	vadd.s32 v1, v4;
	_ =	sdelay $0x4  }
0x1b: {  	[tilespmem:s11], [sflag:$0x1] =	stream.indirect_vreg.gather [hbm4b:s3+s2], $0x80, v4, vm0, $0xb8;
	[tilespmem:$0x8080] =	vst v63  }
0x1c: {  	v3 =	vperm.xlane v3, v2  }
0x1d: {  	[tilespmem:s12], [sflag:$0x1] =	stream.indirect_vreg.gather [hbm4b:s5+s2], $0x80, v4, vm0, $0xb8;
	[tilespmem:$0x8080] =	vst v63  }
0x1e: {  	v3 =	vadd.s32 v1, v3  }
0x1f: {  	[tilespmem:s13], [sflag:$0x1] =	stream.indirect_vreg.gather [hbm4b:s6+s2], $0x80, v4, vm0, $0xb8;
	[tilespmem:$0x8080] =	vst v63  }
0x20: {  	_ = 	snop  }
0x21: {  	[tilespmem:s14], [sflag:$0x1] =	stream.indirect_vreg.gather [hbm4b:s7+s2], $0x80, v4, vm0, $0xb8;
	[tilespmem:$0x8080] =	vst v63  }
0x22: {  	_ = 	snop  }
0x23: {  	[tilespmem:s15], [sflag:$0x1] =	stream.indirect_vreg.gather [hbm4b:s3+s2], $0x80, v3, vm0, $0xb8;
	[tilespmem:$0x8080] =	vst v63  }
0x24: {  	_ = 	snop  }
0x25: {  	[tilespmem:s16], [sflag:$0x1] =	stream.indirect_vreg.gather [hbm4b:s5+s2], $0x80, v3, vm0, $0xb8;
	[tilespmem:$0x8080] =	vst v63  }
0x26: {  	_ = 	snop  }
0x27: {  	[tilespmem:s17], [sflag:$0x1] =	stream.indirect_vreg.gather [hbm4b:s6+s2], $0x80, v3, vm0, $0xb8;
	[tilespmem:$0x8080] =	vst v63  }
0x28: {  	_ = 	snop  }
0x29: {  	[tilespmem:s18], [sflag:$0x1] =	stream.indirect_vreg.gather [hbm4b:s7+s2], $0x80, v3, vm0, $0xb8;
	[tilespmem:$0x8080] =	vst v63  }
0x2a: {  	v3 =	vld [tilespmem:$0x10];
	_ =	sdelay $0x4  }
0x2b: {  	v63 =	vshll.u32 v3, $0x3  }
0x2c: {  	v3 =	vand.u32 $0x7, v3;
	v4 =	vand.u32 $0xFFFFFFC0, v63  }
0x2d: {  	v3 =	vor.u32 v3, v4  }
0x2e: {  	v4 =	vperm.xlane v3, v0;
	_ =	sdelay $0x1  }
0x2f: {  	v4 =	vadd.s32 v1, v4;
	_ =	sdelay $0x4  }
0x30: {  	[tilespmem:s19], [sflag:$0x1] =	stream.indirect_vreg.gather [hbm4b:s3+s2], $0x80, v4, vm0, $0xb8;
	[tilespmem:$0x8080] =	vst v63  }
0x31: {  	v3 =	vperm.xlane v3, v2  }
0x32: {  	[tilespmem:s20], [sflag:$0x1] =	stream.indirect_vreg.gather [hbm4b:s5+s2], $0x80, v4, vm0, $0xb8;
	[tilespmem:$0x8080] =	vst v63  }
0x33: {  	v3 =	vadd.s32 v1, v3  }
0x34: {  	[tilespmem:s21], [sflag:$0x1] =	stream.indirect_vreg.gather [hbm4b:s6+s2], $0x80, v4, vm0, $0xb8;
	[tilespmem:$0x8080] =	vst v63  }
0x35: {  	_ = 	snop  }
0x36: {  	[tilespmem:s22], [sflag:$0x1] =	stream.indirect_vreg.gather [hbm4b:s7+s2], $0x80, v4, vm0, $0xb8;
	[tilespmem:$0x8080] =	vst v63  }
0x37: {  	_ = 	snop  }
0x38: {  	[tilespmem:s23], [sflag:$0x1] =	stream.indirect_vreg.gather [hbm4b:s3+s2], $0x80, v3, vm0, $0xb8;
	[tilespmem:$0x8080] =	vst v63  }
0x39: {  	_ = 	snop  }
0x3a: {  	[tilespmem:s24], [sflag:$0x1] =	stream.indirect_vreg.gather [hbm4b:s5+s2], $0x80, v3, vm0, $0xb8;
	[tilespmem:$0x8080] =	vst v63  }
0x3b: {  	_ = 	snop  }
0x3c: {  	[tilespmem:s25], [sflag:$0x1] =	stream.indirect_vreg.gather [hbm4b:s6+s2], $0x80, v3, vm0, $0xb8;
	[tilespmem:$0x8080] =	vst v63  }
0x3d: {  	_ = 	snop  }
0x3e: {  	[tilespmem:s26], [sflag:$0x1] =	stream.indirect_vreg.gather [hbm4b:s7+s2], $0x80, v3, vm0, $0xb8;
	[tilespmem:$0x8080] =	vst v63  }
0x3f: {  	_ =	swait.ge [sflag:s28], $0x8000  }
0x40: {  	p0 =	sne.s32 s9, $0x1;
	[sflag:s28] =	ssyncset.done $0x0  }
.Ltmp0:
0x41: {  	[sflag:s28] =	ssyncadd.s32 $0xFFFF8000;
	(pc) =	sbr.rel @p0 .LBB2_1-.Ltmp0, $4  }
0x42: {  	[hbm4b:s8+s2] =	stream.linear.scatter [tilespmem:s11], [sflag:$0x2], $0x8000, $0x38;
	[tilespmem:$0x8080] =	vst v63  }
0x43: {  	_ =	swait.ge [sflag:s10], $0x8000  }
0x44: {  	[sflag:s10] =	ssyncset.done $0x0  }
0x45: {  	s9 =	sadd.s32 $0xFFFFFFFF, s9;
	[sflag:s10] =	ssyncadd.s32 $0xFFFF8000  }
0x46: {  	_ =	sfence.sel $0x180000  }
0x47: {  	[bflag:$0x0] =	sbarrier.arrive $0xFFFF  }
0x48: {  	p0 =	sne.s32 s1, $0x0;
	_ =	strace $0x90000047  }
0x49: {  	s0 =	sadd.s32 @!p0 $0x100000, s0;
	[bflag:$0x2] =	sbarrier.arrive $0xFFFF  }
0x4a: {  	[sflag:s0] =	ssyncadd.tile.s32 @!p0 $0x1;
	_ =	shalt  }
.Lfunc_end2:
_tile_overlayer_lowered:
.L_overlay_start_2:
0x4b: {  	(tag) =	ssettag $0x2  }
0x4c: {  	s0 =	rddreg [dreg:$0x0];
	s2 =	stileid.u32  }
0x4d: {  	s1 =	rddreg [dreg:$0x1];
	p0 =	sne.s32 s2, $0x0  }
0x4e: {  	s3 =	rddreg [dreg:$0x2];
	[bflag:$0x3] =	sbarrier.arrive $0xFFFF;
	s2 =	simm.s32 @!p0 $0x1C02  }
0x4f: {  	[timem:s3], [sflag:s2] =	dma.local @!p0 [hbm:s0], s1  }
0x50: {  	s0 =	simm.s32 @!p0 $0x2  }
0x51: {  	_ =	swait.ge @!p0 [sflag:s0], s1  }
0x52: {  	s1 =	ssub.s32 @!p0 $0x0, s1;
	[sflag:s0] =	ssyncset.done @!p0 $0x0  }
0x53: {  	[sflag:s0] =	ssyncadd.s32 @!p0 s1  }
0x54: {  	[bflag:$0x3] =	sbarrier.arrive $0xFFFF  }
0x55: {  	_ =	shalt  }

</sc_bundles>
